<compile_context>
chip_gen: v7x
topology: tpu7x:2x2x1
jax: 0.10.2.dev20260603
libtpu: 0.0.44.dev20260713+nightly
codegen_flags: <defaults>
</compile_context>

<pallas_src>
import functools

import jax
import jax.numpy as jnp
from jax import lax
from jax.experimental import pallas as pl
from jax.experimental.pallas import tpu as pltpu
from jax.experimental.pallas import tpu_sc as plsc

_B = 16384
_D = 16
_EPS = 1e-05
_NC = 2
_NS = 16
_NW = _NC * _NS
_BPW = _B // _NW


def _make_sc_main():
    mesh = plsc.VectorSubcoreMesh(core_axis_name="c", subcore_axis_name="s")

    @functools.partial(
        pl.kernel,
        out_type=[
            jax.ShapeDtypeStruct((_B,), jnp.float32),
            jax.ShapeDtypeStruct((_B,), jnp.float32),
            jax.ShapeDtypeStruct((_B,), jnp.float32),
        ],
        mesh=mesh,
        scratch_types=[
            pltpu.VMEM((_BPW,), jnp.int32),
            pltpu.VMEM((_BPW, _D), jnp.float32),
            pltpu.VMEM((_BPW, _D), jnp.float32),
            pltpu.VMEM((_BPW,), jnp.float32),
            pltpu.VMEM((_BPW,), jnp.float32),
            pltpu.VMEM((_BPW,), jnp.float32),
            pltpu.SemaphoreType.DMA,
        ],
        compiler_params=pltpu.CompilerParams(
            use_tc_tiling_on_sc=False, needs_layout_passes=False),
    )
    def sc_main(u_hbm, v_hbm, th_hbm, su_hbm, sv_hbm, sd_hbm,
                idx_v, ue_v, ve_v, su_v, sv_v, sd_v, sem):
        wid = lax.axis_index("s") * _NC + lax.axis_index("c")
        base = wid * _BPW
        pltpu.sync_copy(u_hbm.at[pl.ds(base, _BPW)], idx_v)
        pltpu.async_copy(th_hbm.at[idx_v], ue_v, sem).wait()
        pltpu.sync_copy(v_hbm.at[pl.ds(base, _BPW)], idx_v)
        pltpu.async_copy(th_hbm.at[idx_v], ve_v, sem).wait()

        @pl.loop(0, _BPW // 16)
        def _reduce(b):
            rows = lax.iota(jnp.int32, 16) + b * 16
            su = jnp.zeros((16,), jnp.float32)
            sv = jnp.zeros((16,), jnp.float32)
            sd = jnp.zeros((16,), jnp.float32)
            for d in range(_D):
                cols = jnp.full((16,), d, jnp.int32)
                cu = plsc.load_gather(ue_v, [rows, cols])
                cv = plsc.load_gather(ve_v, [rows, cols])
                su = su + cu * cu
                sv = sv + cv * cv
                dd = cu - cv
                sd = sd + dd * dd
            su_v[pl.ds(b * 16, 16)] = su
            sv_v[pl.ds(b * 16, 16)] = sv
            sd_v[pl.ds(b * 16, 16)] = sd

        pltpu.sync_copy(su_v, su_hbm.at[pl.ds(base, _BPW)])
        pltpu.sync_copy(sv_v, sv_hbm.at[pl.ds(base, _BPW)])
        pltpu.sync_copy(sd_v, sd_hbm.at[pl.ds(base, _BPW)])

    return sc_main


def _tc_tail_body(r_ref, t_ref, su_ref, sv_ref, sd_ref, o_ref):
    su = jnp.clip(su_ref[...], 0.0, 1.0 - _EPS)
    sv = jnp.clip(sv_ref[...], 0.0, 1.0 - _EPS)
    nrm = jnp.sqrt(sd_ref[...] + _EPS)
    zm1 = 2.0 * nrm / ((1.0 - su) * (1.0 - sv))
    duv = jnp.log((1.0 + zm1) + jnp.sqrt(zm1 * (zm1 + 2.0)))
    r = r_ref[0, 0]
    t = t_ref[0, 0]
    o_ref[...] = 1.0 / (jnp.exp((duv - r) / t) + 1.0)


def _tc_tail(su, sv, sd, r, t):
    return pl.pallas_call(
        _tc_tail_body,
        in_specs=[
            pl.BlockSpec(memory_space=pltpu.SMEM),
            pl.BlockSpec(memory_space=pltpu.SMEM),
            pl.BlockSpec((128, 128), lambda: (0, 0)),
            pl.BlockSpec((128, 128), lambda: (0, 0)),
            pl.BlockSpec((128, 128), lambda: (0, 0)),
        ],
        out_specs=pl.BlockSpec((128, 128), lambda: (0, 0)),
        out_shape=jax.ShapeDtypeStruct((128, 128), jnp.float32),
    )(r.reshape(1, 1), t.reshape(1, 1),
      su.reshape(128, 128), sv.reshape(128, 128), sd.reshape(128, 128))


def kernel(u, v, theta, r, t):
    u = u.astype(jnp.int32)
    v = v.astype(jnp.int32)
    r = jnp.asarray(r, jnp.float32)
    t = jnp.asarray(t, jnp.float32)
    su, sv, sd = _make_sc_main()(u, v, theta)
    out = _tc_tail(su, sv, sd, r, t)
    return out.reshape(_B)

# --- scband reference (transcript-rebuilt; emitter-appended) ---
"""Pipeline reference for scband-poincare-embedding-22608707846271 (READ-ONLY COPY).

The authoritative reference and input builder live on the scoring server;
editing this copy changes nothing except your own understanding.
"""

import jax, jax.numpy as jnp
import numpy as np

NUM_ITEMS = 1000000
LATENT_DIM = 16
BATCH = 16384
EPS = 1e-05


def setup_inputs(seed: int = 0) -> dict:
    key = jax.random.key(seed)
    k1, k2, k3 = jax.random.split(key, 3)
    u = jax.random.randint(k1, (BATCH,), 0, NUM_ITEMS, dtype=jnp.int64) if jax.config.jax_enable_x64 else jax.random.randint(k1, (BATCH,), 0, NUM_ITEMS)
    v = jax.random.randint(k2, (BATCH,), 0, NUM_ITEMS)
    theta = jax.random.uniform(k3, (NUM_ITEMS, LATENT_DIM), minval=-0.001, maxval=0.001, dtype=jnp.float32)
    r = jnp.float32(0.1)
    t = jnp.float32(0.1)
    return {"u": u, "v": v, "theta": theta, "r": r, "t": t}


def _distance(ue, ve, eps=EPS):
    one_minus_u_norm_sq = 1.0 - jnp.clip(jnp.sum(ue * ue, axis=-1), 0.0, 1.0 - eps)
    one_minus_v_norm_sq = 1.0 - jnp.clip(jnp.sum(ve * ve, axis=-1), 0.0, 1.0 - eps)
    u_minus_v_norm = jnp.sqrt(jnp.sum(jnp.power(ue - ve, 2), axis=-1) + eps)
    return jnp.arccosh(1.0 + 2.0 * u_minus_v_norm / (one_minus_u_norm_sq * one_minus_v_norm_sq))


def reference(u, v, theta, r, t):
    ue = jnp.take(theta, u, axis=0)
    ve = jnp.take(theta, v, axis=0)
    duv = _distance(ue, ve)
    return 1.0 / (jnp.exp((duv - r) / t) + 1.0)

if __name__ == "__main__":
    import jax
    _d = setup_inputs()
    print(jax.jit(kernel)(*tuple(_d.values())))

</pallas_src>

<mosaic_0001>
#map = affine_map<(d0, d1) -> (0)>
#map1 = affine_map<(d0, d1) -> (0, 0)>
module attributes {stable_mosaic.version = 14 : i64} {
  func.func @sc_main(%arg0: i32, %arg1: i32, %arg2: memref<16384xi32, #tpu.memory_space<hbm>>, %arg3: memref<16384xi32, #tpu.memory_space<hbm>>, %arg4: memref<1000000x16xf32, #tpu.memory_space<hbm>>, %arg5: memref<16384xf32, #tpu.memory_space<hbm>>, %arg6: memref<16384xf32, #tpu.memory_space<hbm>>, %arg7: memref<16384xf32, #tpu.memory_space<hbm>>, %arg8: memref<512xi32, #tpu.memory_space<vmem>>, %arg9: memref<512x16xf32, #tpu.memory_space<vmem>>, %arg10: memref<512x16xf32, #tpu.memory_space<vmem>>, %arg11: memref<512xf32, #tpu.memory_space<vmem>>, %arg12: memref<512xf32, #tpu.memory_space<vmem>>, %arg13: memref<512xf32, #tpu.memory_space<vmem>>, %arg14: memref<!tpu.dma_semaphore, #tpu.memory_space<semaphore_mem>>) attributes {dimension_semantics = [#tpu.dimension_semantics<core_parallel>, #tpu.dimension_semantics<subcore_parallel>], iteration_bounds = array<i64: 2, 16>, scalar_prefetch = 0 : i64, scratch_operands = 7 : i64, tpu.core_type = #tpu.core_type<sc_vector_subcore>, window_params = [{transform_indices = #map}, {transform_indices = #map}, {transform_indices = #map1}, {transform_indices = #map}, {transform_indices = #map}, {transform_indices = #map}]} {
    %mul3A = arith.constant 2 : i32
    %mul3A_0 = arith.muli %arg1, %mul3A : i32
    %add3A = arith.addi %mul3A_0, %arg0 : i32
    %mul3A_1 = arith.constant 512 : i32
    %mul3A_2 = arith.muli %add3A, %mul3A_1 : i32
    "tpu.region"() ({
      %run_scoped3A = tpu.sem_alloc : memref<!tpu.dma_semaphore, #tpu.memory_space<semaphore_mem>>
      %dma_start3A_17 = tpu.memref_slice %arg2[%mul3A_2] : memref<16384xi32, #tpu.memory_space<hbm>> -> memref<512xi32, #tpu.memory_space<hbm>>
      %dma_start3A_18 = tpu.memref_slice %arg2[%mul3A_2] : memref<16384xi32, #tpu.memory_space<hbm>> -> memref<512xi32, #tpu.memory_space<hbm>>
      tpu.enqueue_dma source(%dma_start3A_18 : memref<512xi32, #tpu.memory_space<hbm>>) target(%arg8 : memref<512xi32, #tpu.memory_space<vmem>>) target_semaphore(%run_scoped3A : memref<!tpu.dma_semaphore, #tpu.memory_space<semaphore_mem>>)
      %dma_wait3A_19 = tpu.memref_slice %arg2[%mul3A_2] : memref<16384xi32, #tpu.memory_space<hbm>> -> memref<512xi32, #tpu.memory_space<hbm>>
      %dma_wait3A_20 = tpu.memref_slice %arg2[%mul3A_2] : memref<16384xi32, #tpu.memory_space<hbm>> -> memref<512xi32, #tpu.memory_space<hbm>>
      tpu.wait_dma2 semaphore(%run_scoped3A : memref<!tpu.dma_semaphore, #tpu.memory_space<semaphore_mem>>) src(%dma_wait3A_20 : memref<512xi32, #tpu.memory_space<hbm>>) dst(%arg8 : memref<512xi32, #tpu.memory_space<vmem>>)
      tpu.yield
    }) : () -> ()
    %dma_start3A = arith.constant 0 : i32
    %dma_start3A_3 = arith.constant 0 : i32
    %dma_start3A_4 = tpu.memref_slice %arg4[%dma_start3A, %dma_start3A_3] : memref<1000000x16xf32, #tpu.memory_space<hbm>> -> memref<1000000x16xf32, #tpu.memory_space<hbm>>
    tpu.enqueue_indirect_dma source(%dma_start3A_4 : memref<1000000x16xf32, #tpu.memory_space<hbm>>) target(%arg9 : memref<512x16xf32, #tpu.memory_space<vmem>>) offsets(%arg8 : memref<512xi32, #tpu.memory_space<vmem>>) semaphore(%arg14 : memref<!tpu.dma_semaphore, #tpu.memory_space<semaphore_mem>>)
    %dma_wait3A = arith.constant 0 : i32
    %dma_wait3A_5 = arith.constant 0 : i32
    %dma_wait3A_6 = tpu.memref_slice %arg4[%dma_wait3A, %dma_wait3A_5] : memref<1000000x16xf32, #tpu.memory_space<hbm>> -> memref<1000000x16xf32, #tpu.memory_space<hbm>>
    tpu.wait_indirect_dma semaphore(%arg14 : memref<!tpu.dma_semaphore, #tpu.memory_space<semaphore_mem>>) src(%dma_wait3A_6 : memref<1000000x16xf32, #tpu.memory_space<hbm>>) dst(%arg9 : memref<512x16xf32, #tpu.memory_space<vmem>>)
    "tpu.region"() ({
      %run_scoped3A = tpu.sem_alloc : memref<!tpu.dma_semaphore, #tpu.memory_space<semaphore_mem>>
      %dma_start3A_17 = tpu.memref_slice %arg3[%mul3A_2] : memref<16384xi32, #tpu.memory_space<hbm>> -> memref<512xi32, #tpu.memory_space<hbm>>
      %dma_start3A_18 = tpu.memref_slice %arg3[%mul3A_2] : memref<16384xi32, #tpu.memory_space<hbm>> -> memref<512xi32, #tpu.memory_space<hbm>>
      tpu.enqueue_dma source(%dma_start3A_18 : memref<512xi32, #tpu.memory_space<hbm>>) target(%arg8 : memref<512xi32, #tpu.memory_space<vmem>>) target_semaphore(%run_scoped3A : memref<!tpu.dma_semaphore, #tpu.memory_space<semaphore_mem>>)
      %dma_wait3A_19 = tpu.memref_slice %arg3[%mul3A_2] : memref<16384xi32, #tpu.memory_space<hbm>> -> memref<512xi32, #tpu.memory_space<hbm>>
      %dma_wait3A_20 = tpu.memref_slice %arg3[%mul3A_2] : memref<16384xi32, #tpu.memory_space<hbm>> -> memref<512xi32, #tpu.memory_space<hbm>>
      tpu.wait_dma2 semaphore(%run_scoped3A : memref<!tpu.dma_semaphore, #tpu.memory_space<semaphore_mem>>) src(%dma_wait3A_20 : memref<512xi32, #tpu.memory_space<hbm>>) dst(%arg8 : memref<512xi32, #tpu.memory_space<vmem>>)
      tpu.yield
    }) : () -> ()
    %dma_start3A_7 = arith.constant 0 : i32
    %dma_start3A_8 = arith.constant 0 : i32
    %dma_start3A_9 = tpu.memref_slice %arg4[%dma_start3A_7, %dma_start3A_8] : memref<1000000x16xf32, #tpu.memory_space<hbm>> -> memref<1000000x16xf32, #tpu.memory_space<hbm>>
    tpu.enqueue_indirect_dma source(%dma_start3A_9 : memref<1000000x16xf32, #tpu.memory_space<hbm>>) target(%arg10 : memref<512x16xf32, #tpu.memory_space<vmem>>) offsets(%arg8 : memref<512xi32, #tpu.memory_space<vmem>>) semaphore(%arg14 : memref<!tpu.dma_semaphore, #tpu.memory_space<semaphore_mem>>)
    %dma_wait3A_10 = arith.constant 0 : i32
    %dma_wait3A_11 = arith.constant 0 : i32
    %dma_wait3A_12 = tpu.memref_slice %arg4[%dma_wait3A_10, %dma_wait3A_11] : memref<1000000x16xf32, #tpu.memory_space<hbm>> -> memref<1000000x16xf32, #tpu.memory_space<hbm>>
    tpu.wait_indirect_dma semaphore(%arg14 : memref<!tpu.dma_semaphore, #tpu.memory_space<semaphore_mem>>) src(%dma_wait3A_12 : memref<1000000x16xf32, #tpu.memory_space<hbm>>) dst(%arg10 : memref<512x16xf32, #tpu.memory_space<vmem>>)
    %scan3A = arith.constant 0 : i32
    %scan3A_13 = arith.constant 32 : i32
    %scan3A_14 = arith.addi %scan3A, %scan3A_13 : i32
    %scan3A_15 = arith.constant 1 : i32
    scf.for %scan3A_17 = %scan3A to %scan3A_14 step %scan3A_15  : i32 {
      %mul3A_18 = arith.constant 1 : i32
      %mul3A_19 = arith.muli %scan3A_17, %mul3A_18 : i32
      %add3A_20 = arith.constant 0 : i32
      %add3A_21 = arith.addi %add3A_20, %mul3A_19 : i32
      %iota3A = tpu.iota {dimensions = array<i32: 0>} : vector<16xi32>
      %mul3A_22 = arith.constant 16 : i32
      %mul3A_23 = arith.muli %add3A_21, %mul3A_22 : i32
      %add3A_24 = vector.broadcast %mul3A_23 : i32 to vector<16xi32>
      %add3A_25 = arith.addi %iota3A, %add3A_24 : vector<16xi32>
      %broadcast_in_dim3A = arith.constant 0.000000e+00 : f32
      %broadcast_in_dim3A_26 = vector.broadcast %broadcast_in_dim3A : f32 to vector<16xf32>
      %broadcast_in_dim3A_27 = arith.constant 0.000000e+00 : f32
      %broadcast_in_dim3A_28 = vector.broadcast %broadcast_in_dim3A_27 : f32 to vector<16xf32>
      %broadcast_in_dim3A_29 = arith.constant 0.000000e+00 : f32
      %broadcast_in_dim3A_30 = vector.broadcast %broadcast_in_dim3A_29 : f32 to vector<16xf32>
      %broadcast_in_dim3A_31 = arith.constant 0 : i32
      %broadcast_in_dim3A_32 = vector.broadcast %broadcast_in_dim3A_31 : i32 to vector<16xi32>
      %gather3A = tpu.vector_load_idx %arg9[%add3A_25, %broadcast_in_dim3A_32] : memref<512x16xf32, #tpu.memory_space<vmem>>[vector<16xi32>, vector<16xi32>], vector<16xf32>,
      %gather3A_33 = tpu.vector_load_idx %arg10[%add3A_25, %broadcast_in_dim3A_32] : memref<512x16xf32, #tpu.memory_space<vmem>>[vector<16xi32>, vector<16xi32>], vector<16xf32>,
      %mul3A_34 = arith.mulf %gather3A, %gather3A : vector<16xf32>
      %add3A_35 = arith.addf %broadcast_in_dim3A_26, %mul3A_34 : vector<16xf32>
      %mul3A_36 = arith.mulf %gather3A_33, %gather3A_33 : vector<16xf32>
      %add3A_37 = arith.addf %broadcast_in_dim3A_28, %mul3A_36 : vector<16xf32>
      %sub3A = arith.subf %gather3A, %gather3A_33 : vector<16xf32>
      %mul3A_38 = arith.mulf %sub3A, %sub3A : vector<16xf32>
      %add3A_39 = arith.addf %broadcast_in_dim3A_30, %mul3A_38 : vector<16xf32>
      %broadcast_in_dim3A_40 = arith.constant 1 : i32
      %broadcast_in_dim3A_41 = vector.broadcast %broadcast_in_dim3A_40 : i32 to vector<16xi32>
      %gather3A_42 = tpu.vector_load_idx %arg9[%add3A_25, %broadcast_in_dim3A_41] : memref<512x16xf32, #tpu.memory_space<vmem>>[vector<16xi32>, vector<16xi32>], vector<16xf32>,
      %gather3A_43 = tpu.vector_load_idx %arg10[%add3A_25, %broadcast_in_dim3A_41] : memref<512x16xf32, #tpu.memory_space<vmem>>[vector<16xi32>, vector<16xi32>], vector<16xf32>,
      %mul3A_44 = arith.mulf %gather3A_42, %gather3A_42 : vector<16xf32>
      %add3A_45 = arith.addf %add3A_35, %mul3A_44 : vector<16xf32>
      %mul3A_46 = arith.mulf %gather3A_43, %gather3A_43 : vector<16xf32>
      %add3A_47 = arith.addf %add3A_37, %mul3A_46 : vector<16xf32>
      %sub3A_48 = arith.subf %gather3A_42, %gather3A_43 : vector<16xf32>
      %mul3A_49 = arith.mulf %sub3A_48, %sub3A_48 : vector<16xf32>
      %add3A_50 = arith.addf %add3A_39, %mul3A_49 : vector<16xf32>
      %broadcast_in_dim3A_51 = arith.constant 2 : i32
      %broadcast_in_dim3A_52 = vector.broadcast %broadcast_in_dim3A_51 : i32 to vector<16xi32>
      %gather3A_53 = tpu.vector_load_idx %arg9[%add3A_25, %broadcast_in_dim3A_52] : memref<512x16xf32, #tpu.memory_space<vmem>>[vector<16xi32>, vector<16xi32>], vector<16xf32>,
      %gather3A_54 = tpu.vector_load_idx %arg10[%add3A_25, %broadcast_in_dim3A_52] : memref<512x16xf32, #tpu.memory_space<vmem>>[vector<16xi32>, vector<16xi32>], vector<16xf32>,
      %mul3A_55 = arith.mulf %gather3A_53, %gather3A_53 : vector<16xf32>
      %add3A_56 = arith.addf %add3A_45, %mul3A_55 : vector<16xf32>
      %mul3A_57 = arith.mulf %gather3A_54, %gather3A_54 : vector<16xf32>
      %add3A_58 = arith.addf %add3A_47, %mul3A_57 : vector<16xf32>
      %sub3A_59 = arith.subf %gather3A_53, %gather3A_54 : vector<16xf32>
      %mul3A_60 = arith.mulf %sub3A_59, %sub3A_59 : vector<16xf32>
      %add3A_61 = arith.addf %add3A_50, %mul3A_60 : vector<16xf32>
      %broadcast_in_dim3A_62 = arith.constant 3 : i32
      %broadcast_in_dim3A_63 = vector.broadcast %broadcast_in_dim3A_62 : i32 to vector<16xi32>
      %gather3A_64 = tpu.vector_load_idx %arg9[%add3A_25, %broadcast_in_dim3A_63] : memref<512x16xf32, #tpu.memory_space<vmem>>[vector<16xi32>, vector<16xi32>], vector<16xf32>,
      %gather3A_65 = tpu.vector_load_idx %arg10[%add3A_25, %broadcast_in_dim3A_63] : memref<512x16xf32, #tpu.memory_space<vmem>>[vector<16xi32>, vector<16xi32>], vector<16xf32>,
      %mul3A_66 = arith.mulf %gather3A_64, %gather3A_64 : vector<16xf32>
      %add3A_67 = arith.addf %add3A_56, %mul3A_66 : vector<16xf32>
      %mul3A_68 = arith.mulf %gather3A_65, %gather3A_65 : vector<16xf32>
      %add3A_69 = arith.addf %add3A_58, %mul3A_68 : vector<16xf32>
      %sub3A_70 = arith.subf %gather3A_64, %gather3A_65 : vector<16xf32>
      %mul3A_71 = arith.mulf %sub3A_70, %sub3A_70 : vector<16xf32>
      %add3A_72 = arith.addf %add3A_61, %mul3A_71 : vector<16xf32>
      %broadcast_in_dim3A_73 = arith.constant 4 : i32
      %broadcast_in_dim3A_74 = vector.broadcast %broadcast_in_dim3A_73 : i32 to vector<16xi32>
      %gather3A_75 = tpu.vector_load_idx %arg9[%add3A_25, %broadcast_in_dim3A_74] : memref<512x16xf32, #tpu.memory_space<vmem>>[vector<16xi32>, vector<16xi32>], vector<16xf32>,
      %gather3A_76 = tpu.vector_load_idx %arg10[%add3A_25, %broadcast_in_dim3A_74] : memref<512x16xf32, #tpu.memory_space<vmem>>[vector<16xi32>, vector<16xi32>], vector<16xf32>,
      %mul3A_77 = arith.mulf %gather3A_75, %gather3A_75 : vector<16xf32>
      %add3A_78 = arith.addf %add3A_67, %mul3A_77 : vector<16xf32>
      %mul3A_79 = arith.mulf %gather3A_76, %gather3A_76 : vector<16xf32>
      %add3A_80 = arith.addf %add3A_69, %mul3A_79 : vector<16xf32>
      %sub3A_81 = arith.subf %gather3A_75, %gather3A_76 : vector<16xf32>
      %mul3A_82 = arith.mulf %sub3A_81, %sub3A_81 : vector<16xf32>
      %add3A_83 = arith.addf %add3A_72, %mul3A_82 : vector<16xf32>
      %broadcast_in_dim3A_84 = arith.constant 5 : i32
      %broadcast_in_dim3A_85 = vector.broadcast %broadcast_in_dim3A_84 : i32 to vector<16xi32>
      %gather3A_86 = tpu.vector_load_idx %arg9[%add3A_25, %broadcast_in_dim3A_85] : memref<512x16xf32, #tpu.memory_space<vmem>>[vector<16xi32>, vector<16xi32>], vector<16xf32>,
      %gather3A_87 = tpu.vector_load_idx %arg10[%add3A_25, %broadcast_in_dim3A_85] : memref<512x16xf32, #tpu.memory_space<vmem>>[vector<16xi32>, vector<16xi32>], vector<16xf32>,
      %mul3A_88 = arith.mulf %gather3A_86, %gather3A_86 : vector<16xf32>
      %add3A_89 = arith.addf %add3A_78, %mul3A_88 : vector<16xf32>
      %mul3A_90 = arith.mulf %gather3A_87, %gather3A_87 : vector<16xf32>
      %add3A_91 = arith.addf %add3A_80, %mul3A_90 : vector<16xf32>
      %sub3A_92 = arith.subf %gather3A_86, %gather3A_87 : vector<16xf32>
      %mul3A_93 = arith.mulf %sub3A_92, %sub3A_92 : vector<16xf32>
      %add3A_94 = arith.addf %add3A_83, %mul3A_93 : vector<16xf32>
      %broadcast_in_dim3A_95 = arith.constant 6 : i32
      %broadcast_in_dim3A_96 = vector.broadcast %broadcast_in_dim3A_95 : i32 to vector<16xi32>
      %gather3A_97 = tpu.vector_load_idx %arg9[%add3A_25, %broadcast_in_dim3A_96] : memref<512x16xf32, #tpu.memory_space<vmem>>[vector<16xi32>, vector<16xi32>], vector<16xf32>,
      %gather3A_98 = tpu.vector_load_idx %arg10[%add3A_25, %broadcast_in_dim3A_96] : memref<512x16xf32, #tpu.memory_space<vmem>>[vector<16xi32>, vector<16xi32>], vector<16xf32>,
      %mul3A_99 = arith.mulf %gather3A_97, %gather3A_97 : vector<16xf32>
      %add3A_100 = arith.addf %add3A_89, %mul3A_99 : vector<16xf32>
      %mul3A_101 = arith.mulf %gather3A_98, %gather3A_98 : vector<16xf32>
      %add3A_102 = arith.addf %add3A_91, %mul3A_101 : vector<16xf32>
      %sub3A_103 = arith.subf %gather3A_97, %gather3A_98 : vector<16xf32>
      %mul3A_104 = arith.mulf %sub3A_103, %sub3A_103 : vector<16xf32>
      %add3A_105 = arith.addf %add3A_94, %mul3A_104 : vector<16xf32>
      %broadcast_in_dim3A_106 = arith.constant 7 : i32
      %broadcast_in_dim3A_107 = vector.broadcast %broadcast_in_dim3A_106 : i32 to vector<16xi32>
      %gather3A_108 = tpu.vector_load_idx %arg9[%add3A_25, %broadcast_in_dim3A_107] : memref<512x16xf32, #tpu.memory_space<vmem>>[vector<16xi32>, vector<16xi32>], vector<16xf32>,
      %gather3A_109 = tpu.vector_load_idx %arg10[%add3A_25, %broadcast_in_dim3A_107] : memref<512x16xf32, #tpu.memory_space<vmem>>[vector<16xi32>, vector<16xi32>], vector<16xf32>,
      %mul3A_110 = arith.mulf %gather3A_108, %gather3A_108 : vector<16xf32>
      %add3A_111 = arith.addf %add3A_100, %mul3A_110 : vector<16xf32>
      %mul3A_112 = arith.mulf %gather3A_109, %gather3A_109 : vector<16xf32>
      %add3A_113 = arith.addf %add3A_102, %mul3A_112 : vector<16xf32>
      %sub3A_114 = arith.subf %gather3A_108, %gather3A_109 : vector<16xf32>
      %mul3A_115 = arith.mulf %sub3A_114, %sub3A_114 : vector<16xf32>
      %add3A_116 = arith.addf %add3A_105, %mul3A_115 : vector<16xf32>
      %broadcast_in_dim3A_117 = arith.constant 8 : i32
      %broadcast_in_dim3A_118 = vector.broadcast %broadcast_in_dim3A_117 : i32 to vector<16xi32>
      %gather3A_119 = tpu.vector_load_idx %arg9[%add3A_25, %broadcast_in_dim3A_118] : memref<512x16xf32, #tpu.memory_space<vmem>>[vector<16xi32>, vector<16xi32>], vector<16xf32>,
      %gather3A_120 = tpu.vector_load_idx %arg10[%add3A_25, %broadcast_in_dim3A_118] : memref<512x16xf32, #tpu.memory_space<vmem>>[vector<16xi32>, vector<16xi32>], vector<16xf32>,
      %mul3A_121 = arith.mulf %gather3A_119, %gather3A_119 : vector<16xf32>
      %add3A_122 = arith.addf %add3A_111, %mul3A_121 : vector<16xf32>
      %mul3A_123 = arith.mulf %gather3A_120, %gather3A_120 : vector<16xf32>
      %add3A_124 = arith.addf %add3A_113, %mul3A_123 : vector<16xf32>
      %sub3A_125 = arith.subf %gather3A_119, %gather3A_120 : vector<16xf32>
      %mul3A_126 = arith.mulf %sub3A_125, %sub3A_125 : vector<16xf32>
      %add3A_127 = arith.addf %add3A_116, %mul3A_126 : vector<16xf32>
      %broadcast_in_dim3A_128 = arith.constant 9 : i32
      %broadcast_in_dim3A_129 = vector.broadcast %broadcast_in_dim3A_128 : i32 to vector<16xi32>
      %gather3A_130 = tpu.vector_load_idx %arg9[%add3A_25, %broadcast_in_dim3A_129] : memref<512x16xf32, #tpu.memory_space<vmem>>[vector<16xi32>, vector<16xi32>], vector<16xf32>,
      %gather3A_131 = tpu.vector_load_idx %arg10[%add3A_25, %broadcast_in_dim3A_129] : memref<512x16xf32, #tpu.memory_space<vmem>>[vector<16xi32>, vector<16xi32>], vector<16xf32>,
      %mul3A_132 = arith.mulf %gather3A_130, %gather3A_130 : vector<16xf32>
      %add3A_133 = arith.addf %add3A_122, %mul3A_132 : vector<16xf32>
      %mul3A_134 = arith.mulf %gather3A_131, %gather3A_131 : vector<16xf32>
      %add3A_135 = arith.addf %add3A_124, %mul3A_134 : vector<16xf32>
      %sub3A_136 = arith.subf %gather3A_130, %gather3A_131 : vector<16xf32>
      %mul3A_137 = arith.mulf %sub3A_136, %sub3A_136 : vector<16xf32>
      %add3A_138 = arith.addf %add3A_127, %mul3A_137 : vector<16xf32>
      %broadcast_in_dim3A_139 = arith.constant 10 : i32
      %broadcast_in_dim3A_140 = vector.broadcast %broadcast_in_dim3A_139 : i32 to vector<16xi32>
      %gather3A_141 = tpu.vector_load_idx %arg9[%add3A_25, %broadcast_in_dim3A_140] : memref<512x16xf32, #tpu.memory_space<vmem>>[vector<16xi32>, vector<16xi32>], vector<16xf32>,
      %gather3A_142 = tpu.vector_load_idx %arg10[%add3A_25, %broadcast_in_dim3A_140] : memref<512x16xf32, #tpu.memory_space<vmem>>[vector<16xi32>, vector<16xi32>], vector<16xf32>,
      %mul3A_143 = arith.mulf %gather3A_141, %gather3A_141 : vector<16xf32>
      %add3A_144 = arith.addf %add3A_133, %mul3A_143 : vector<16xf32>
      %mul3A_145 = arith.mulf %gather3A_142, %gather3A_142 : vector<16xf32>
      %add3A_146 = arith.addf %add3A_135, %mul3A_145 : vector<16xf32>
      %sub3A_147 = arith.subf %gather3A_141, %gather3A_142 : vector<16xf32>
      %mul3A_148 = arith.mulf %sub3A_147, %sub3A_147 : vector<16xf32>
      %add3A_149 = arith.addf %add3A_138, %mul3A_148 : vector<16xf32>
      %broadcast_in_dim3A_150 = arith.constant 11 : i32
      %broadcast_in_dim3A_151 = vector.broadcast %broadcast_in_dim3A_150 : i32 to vector<16xi32>
      %gather3A_152 = tpu.vector_load_idx %arg9[%add3A_25, %broadcast_in_dim3A_151] : memref<512x16xf32, #tpu.memory_space<vmem>>[vector<16xi32>, vector<16xi32>], vector<16xf32>,
      %gather3A_153 = tpu.vector_load_idx %arg10[%add3A_25, %broadcast_in_dim3A_151] : memref<512x16xf32, #tpu.memory_space<vmem>>[vector<16xi32>, vector<16xi32>], vector<16xf32>,
      %mul3A_154 = arith.mulf %gather3A_152, %gather3A_152 : vector<16xf32>
      %add3A_155 = arith.addf %add3A_144, %mul3A_154 : vector<16xf32>
      %mul3A_156 = arith.mulf %gather3A_153, %gather3A_153 : vector<16xf32>
      %add3A_157 = arith.addf %add3A_146, %mul3A_156 : vector<16xf32>
      %sub3A_158 = arith.subf %gather3A_152, %gather3A_153 : vector<16xf32>
      %mul3A_159 = arith.mulf %sub3A_158, %sub3A_158 : vector<16xf32>
      %add3A_160 = arith.addf %add3A_149, %mul3A_159 : vector<16xf32>
      %broadcast_in_dim3A_161 = arith.constant 12 : i32
      %broadcast_in_dim3A_162 = vector.broadcast %broadcast_in_dim3A_161 : i32 to vector<16xi32>
      %gather3A_163 = tpu.vector_load_idx %arg9[%add3A_25, %broadcast_in_dim3A_162] : memref<512x16xf32, #tpu.memory_space<vmem>>[vector<16xi32>, vector<16xi32>], vector<16xf32>,
      %gather3A_164 = tpu.vector_load_idx %arg10[%add3A_25, %broadcast_in_dim3A_162] : memref<512x16xf32, #tpu.memory_space<vmem>>[vector<16xi32>, vector<16xi32>], vector<16xf32>,
      %mul3A_165 = arith.mulf %gather3A_163, %gather3A_163 : vector<16xf32>
      %add3A_166 = arith.addf %add3A_155, %mul3A_165 : vector<16xf32>
      %mul3A_167 = arith.mulf %gather3A_164, %gather3A_164 : vector<16xf32>
      %add3A_168 = arith.addf %add3A_157, %mul3A_167 : vector<16xf32>
      %sub3A_169 = arith.subf %gather3A_163, %gather3A_164 : vector<16xf32>
      %mul3A_170 = arith.mulf %sub3A_169, %sub3A_169 : vector<16xf32>
      %add3A_171 = arith.addf %add3A_160, %mul3A_170 : vector<16xf32>
      %broadcast_in_dim3A_172 = arith.constant 13 : i32
      %broadcast_in_dim3A_173 = vector.broadcast %broadcast_in_dim3A_172 : i32 to vector<16xi32>
      %gather3A_174 = tpu.vector_load_idx %arg9[%add3A_25, %broadcast_in_dim3A_173] : memref<512x16xf32, #tpu.memory_space<vmem>>[vector<16xi32>, vector<16xi32>], vector<16xf32>,
      %gather3A_175 = tpu.vector_load_idx %arg10[%add3A_25, %broadcast_in_dim3A_173] : memref<512x16xf32, #tpu.memory_space<vmem>>[vector<16xi32>, vector<16xi32>], vector<16xf32>,
      %mul3A_176 = arith.mulf %gather3A_174, %gather3A_174 : vector<16xf32>
      %add3A_177 = arith.addf %add3A_166, %mul3A_176 : vector<16xf32>
      %mul3A_178 = arith.mulf %gather3A_175, %gather3A_175 : vector<16xf32>
      %add3A_179 = arith.addf %add3A_168, %mul3A_178 : vector<16xf32>
      %sub3A_180 = arith.subf %gather3A_174, %gather3A_175 : vector<16xf32>
      %mul3A_181 = arith.mulf %sub3A_180, %sub3A_180 : vector<16xf32>
      %add3A_182 = arith.addf %add3A_171, %mul3A_181 : vector<16xf32>
      %broadcast_in_dim3A_183 = arith.constant 14 : i32
      %broadcast_in_dim3A_184 = vector.broadcast %broadcast_in_dim3A_183 : i32 to vector<16xi32>
      %gather3A_185 = tpu.vector_load_idx %arg9[%add3A_25, %broadcast_in_dim3A_184] : memref<512x16xf32, #tpu.memory_space<vmem>>[vector<16xi32>, vector<16xi32>], vector<16xf32>,
      %gather3A_186 = tpu.vector_load_idx %arg10[%add3A_25, %broadcast_in_dim3A_184] : memref<512x16xf32, #tpu.memory_space<vmem>>[vector<16xi32>, vector<16xi32>], vector<16xf32>,
      %mul3A_187 = arith.mulf %gather3A_185, %gather3A_185 : vector<16xf32>
      %add3A_188 = arith.addf %add3A_177, %mul3A_187 : vector<16xf32>
      %mul3A_189 = arith.mulf %gather3A_186, %gather3A_186 : vector<16xf32>
      %add3A_190 = arith.addf %add3A_179, %mul3A_189 : vector<16xf32>
      %sub3A_191 = arith.subf %gather3A_185, %gather3A_186 : vector<16xf32>
      %mul3A_192 = arith.mulf %sub3A_191, %sub3A_191 : vector<16xf32>
      %add3A_193 = arith.addf %add3A_182, %mul3A_192 : vector<16xf32>
      %broadcast_in_dim3A_194 = arith.constant 15 : i32
      %broadcast_in_dim3A_195 = vector.broadcast %broadcast_in_dim3A_194 : i32 to vector<16xi32>
      %gather3A_196 = tpu.vector_load_idx %arg9[%add3A_25, %broadcast_in_dim3A_195] : memref<512x16xf32, #tpu.memory_space<vmem>>[vector<16xi32>, vector<16xi32>], vector<16xf32>,
      %gather3A_197 = tpu.vector_load_idx %arg10[%add3A_25, %broadcast_in_dim3A_195] : memref<512x16xf32, #tpu.memory_space<vmem>>[vector<16xi32>, vector<16xi32>], vector<16xf32>,
      %mul3A_198 = arith.mulf %gather3A_196, %gather3A_196 : vector<16xf32>
      %add3A_199 = arith.addf %add3A_188, %mul3A_198 : vector<16xf32>
      %mul3A_200 = arith.mulf %gather3A_197, %gather3A_197 : vector<16xf32>
      %add3A_201 = arith.addf %add3A_190, %mul3A_200 : vector<16xf32>
      %sub3A_202 = arith.subf %gather3A_196, %gather3A_197 : vector<16xf32>
      %mul3A_203 = arith.mulf %sub3A_202, %sub3A_202 : vector<16xf32>
      %add3A_204 = arith.addf %add3A_193, %mul3A_203 : vector<16xf32>
      %mul3A_205 = arith.constant 16 : i32
      %mul3A_206 = arith.muli %add3A_21, %mul3A_205 : i32
      %swap3A = arith.index_cast %mul3A_206 : i32 to index
      %swap3A_207 = tpu.vector_load %arg11[%swap3A] {strides = array<i32>} : memref<512xf32, #tpu.memory_space<vmem>>, vector<16xf32>,
      tpu.vector_store %arg11[%swap3A], %add3A_199 {strides = array<i32>} : memref<512xf32, #tpu.memory_space<vmem>>, vector<16xf32>,
      %mul3A_208 = arith.constant 16 : i32
      %mul3A_209 = arith.muli %add3A_21, %mul3A_208 : i32
      %swap3A_210 = arith.index_cast %mul3A_209 : i32 to index
      %swap3A_211 = tpu.vector_load %arg12[%swap3A_210] {strides = array<i32>} : memref<512xf32, #tpu.memory_space<vmem>>, vector<16xf32>,
      tpu.vector_store %arg12[%swap3A_210], %add3A_201 {strides = array<i32>} : memref<512xf32, #tpu.memory_space<vmem>>, vector<16xf32>,
      %mul3A_212 = arith.constant 16 : i32
      %mul3A_213 = arith.muli %add3A_21, %mul3A_212 : i32
      %swap3A_214 = arith.index_cast %mul3A_213 : i32 to index
      %swap3A_215 = tpu.vector_load %arg13[%swap3A_214] {strides = array<i32>} : memref<512xf32, #tpu.memory_space<vmem>>, vector<16xf32>,
      tpu.vector_store %arg13[%swap3A_214], %add3A_204 {strides = array<i32>} : memref<512xf32, #tpu.memory_space<vmem>>, vector<16xf32>,
    }
    %scan3A_16 = arith.constant 32 : i32
    "tpu.region"() ({
      %run_scoped3A = tpu.sem_alloc : memref<!tpu.dma_semaphore, #tpu.memory_space<semaphore_mem>>
      %dma_start3A_17 = tpu.memref_slice %arg5[%mul3A_2] : memref<16384xf32, #tpu.memory_space<hbm>> -> memref<512xf32, #tpu.memory_space<hbm>>
      %dma_start3A_18 = tpu.memref_slice %arg5[%mul3A_2] : memref<16384xf32, #tpu.memory_space<hbm>> -> memref<512xf32, #tpu.memory_space<hbm>>
      tpu.enqueue_dma source(%arg11 : memref<512xf32, #tpu.memory_space<vmem>>) target(%dma_start3A_18 : memref<512xf32, #tpu.memory_space<hbm>>) target_semaphore(%run_scoped3A : memref<!tpu.dma_semaphore, #tpu.memory_space<semaphore_mem>>)
      %dma_wait3A_19 = tpu.memref_slice %arg5[%mul3A_2] : memref<16384xf32, #tpu.memory_space<hbm>> -> memref<512xf32, #tpu.memory_space<hbm>>
      %dma_wait3A_20 = tpu.memref_slice %arg5[%mul3A_2] : memref<16384xf32, #tpu.memory_space<hbm>> -> memref<512xf32, #tpu.memory_space<hbm>>
      tpu.wait_dma2 semaphore(%run_scoped3A : memref<!tpu.dma_semaphore, #tpu.memory_space<semaphore_mem>>) src(%arg11 : memref<512xf32, #tpu.memory_space<vmem>>) dst(%dma_wait3A_20 : memref<512xf32, #tpu.memory_space<hbm>>)
      tpu.yield
    }) : () -> ()
    "tpu.region"() ({
      %run_scoped3A = tpu.sem_alloc : memref<!tpu.dma_semaphore, #tpu.memory_space<semaphore_mem>>
      %dma_start3A_17 = tpu.memref_slice %arg6[%mul3A_2] : memref<16384xf32, #tpu.memory_space<hbm>> -> memref<512xf32, #tpu.memory_space<hbm>>
      %dma_start3A_18 = tpu.memref_slice %arg6[%mul3A_2] : memref<16384xf32, #tpu.memory_space<hbm>> -> memref<512xf32, #tpu.memory_space<hbm>>
      tpu.enqueue_dma source(%arg12 : memref<512xf32, #tpu.memory_space<vmem>>) target(%dma_start3A_18 : memref<512xf32, #tpu.memory_space<hbm>>) target_semaphore(%run_scoped3A : memref<!tpu.dma_semaphore, #tpu.memory_space<semaphore_mem>>)
      %dma_wait3A_19 = tpu.memref_slice %arg6[%mul3A_2] : memref<16384xf32, #tpu.memory_space<hbm>> -> memref<512xf32, #tpu.memory_space<hbm>>
      %dma_wait3A_20 = tpu.memref_slice %arg6[%mul3A_2] : memref<16384xf32, #tpu.memory_space<hbm>> -> memref<512xf32, #tpu.memory_space<hbm>>
      tpu.wait_dma2 semaphore(%run_scoped3A : memref<!tpu.dma_semaphore, #tpu.memory_space<semaphore_mem>>) src(%arg12 : memref<512xf32, #tpu.memory_space<vmem>>) dst(%dma_wait3A_20 : memref<512xf32, #tpu.memory_space<hbm>>)
      tpu.yield
    }) : () -> ()
    "tpu.region"() ({
      %run_scoped3A = tpu.sem_alloc : memref<!tpu.dma_semaphore, #tpu.memory_space<semaphore_mem>>
      %dma_start3A_17 = tpu.memref_slice %arg7[%mul3A_2] : memref<16384xf32, #tpu.memory_space<hbm>> -> memref<512xf32, #tpu.memory_space<hbm>>
      %dma_start3A_18 = tpu.memref_slice %arg7[%mul3A_2] : memref<16384xf32, #tpu.memory_space<hbm>> -> memref<512xf32, #tpu.memory_space<hbm>>
      tpu.enqueue_dma source(%arg13 : memref<512xf32, #tpu.memory_space<vmem>>) target(%dma_start3A_18 : memref<512xf32, #tpu.memory_space<hbm>>) target_semaphore(%run_scoped3A : memref<!tpu.dma_semaphore, #tpu.memory_space<semaphore_mem>>)
      %dma_wait3A_19 = tpu.memref_slice %arg7[%mul3A_2] : memref<16384xf32, #tpu.memory_space<hbm>> -> memref<512xf32, #tpu.memory_space<hbm>>
      %dma_wait3A_20 = tpu.memref_slice %arg7[%mul3A_2] : memref<16384xf32, #tpu.memory_space<hbm>> -> memref<512xf32, #tpu.memory_space<hbm>>
      tpu.wait_dma2 semaphore(%run_scoped3A : memref<!tpu.dma_semaphore, #tpu.memory_space<semaphore_mem>>) src(%arg13 : memref<512xf32, #tpu.memory_space<vmem>>) dst(%dma_wait3A_20 : memref<512xf32, #tpu.memory_space<hbm>>)
      tpu.yield
    }) : () -> ()
    return
  }
}

module attributes {stable_mosaic.version = 14 : i64} {
  func.func @_tc_tail_body(%arg0: memref<1x1xf32, #tpu.memory_space<smem>>, %arg1: memref<1x1xf32, #tpu.memory_space<smem>>, %arg2: memref<128x128xf32, #tpu.memory_space<vmem>>, %arg3: memref<128x128xf32, #tpu.memory_space<vmem>>, %arg4: memref<128x128xf32, #tpu.memory_space<vmem>>, %arg5: memref<128x128xf32, #tpu.memory_space<vmem>>) attributes {dimension_semantics = [], scalar_prefetch = 0 : i64, scratch_operands = 0 : i64, tpu.core_type = #tpu.core_type<tc>} {
    %get3A = arith.constant 0 : index
    %get3A_0 = arith.constant 0 : index
    %get3A_1 = vector.load %arg2[%get3A, %get3A_0] : memref<128x128xf32, #tpu.memory_space<vmem>>, vector<128x128xf32>
    %jit3A = arith.constant 0.000000e+00 : f32
    %jit3A_2 = arith.constant 0.999989986 : f32
    %max3A = vector.broadcast %jit3A : f32 to vector<128x128xf32>
    %max3A_3 = arith.maximumf %max3A, %get3A_1 : vector<128x128xf32>
    %min3A = vector.broadcast %jit3A_2 : f32 to vector<128x128xf32>
    %min3A_4 = arith.minimumf %min3A, %max3A_3 : vector<128x128xf32>
    %get3A_5 = arith.constant 0 : index
    %get3A_6 = arith.constant 0 : index
    %get3A_7 = vector.load %arg3[%get3A_5, %get3A_6] : memref<128x128xf32, #tpu.memory_space<vmem>>, vector<128x128xf32>
    %jit3A_8 = arith.constant 0.000000e+00 : f32
    %jit3A_9 = arith.constant 0.999989986 : f32
    %max3A_10 = vector.broadcast %jit3A_8 : f32 to vector<128x128xf32>
    %max3A_11 = arith.maximumf %max3A_10, %get3A_7 : vector<128x128xf32>
    %min3A_12 = vector.broadcast %jit3A_9 : f32 to vector<128x128xf32>
    %min3A_13 = arith.minimumf %min3A_12, %max3A_11 : vector<128x128xf32>
    %get3A_14 = arith.constant 0 : index
    %get3A_15 = arith.constant 0 : index
    %get3A_16 = vector.load %arg4[%get3A_14, %get3A_15] : memref<128x128xf32, #tpu.memory_space<vmem>>, vector<128x128xf32>
    %add3A = arith.constant 9.99999974E-6 : f32
    %add3A_17 = vector.broadcast %add3A : f32 to vector<128x128xf32>
    %add3A_18 = arith.addf %get3A_16, %add3A_17 : vector<128x128xf32>
    %sqrt3A = math.sqrt %add3A_18 : vector<128x128xf32>
    %mul3A = arith.constant 2.000000e+00 : f32
    %mul3A_19 = vector.broadcast %mul3A : f32 to vector<128x128xf32>
    %mul3A_20 = arith.mulf %mul3A_19, %sqrt3A : vector<128x128xf32>
    %sub3A = arith.constant 1.000000e+00 : f32
    %sub3A_21 = vector.broadcast %sub3A : f32 to vector<128x128xf32>
    %sub3A_22 = arith.subf %sub3A_21, %min3A_4 : vector<128x128xf32>
    %sub3A_23 = arith.constant 1.000000e+00 : f32
    %sub3A_24 = vector.broadcast %sub3A_23 : f32 to vector<128x128xf32>
    %sub3A_25 = arith.subf %sub3A_24, %min3A_13 : vector<128x128xf32>
    %mul3A_26 = arith.mulf %sub3A_22, %sub3A_25 : vector<128x128xf32>
    %div3A = arith.divf %mul3A_20, %mul3A_26 : vector<128x128xf32>
    %add3A_27 = arith.constant 1.000000e+00 : f32
    %add3A_28 = vector.broadcast %add3A_27 : f32 to vector<128x128xf32>
    %add3A_29 = arith.addf %add3A_28, %div3A : vector<128x128xf32>
    %add3A_30 = arith.constant 2.000000e+00 : f32
    %add3A_31 = vector.broadcast %add3A_30 : f32 to vector<128x128xf32>
    %add3A_32 = arith.addf %div3A, %add3A_31 : vector<128x128xf32>
    %mul3A_33 = arith.mulf %div3A, %add3A_32 : vector<128x128xf32>
    %sqrt3A_34 = math.sqrt %mul3A_33 : vector<128x128xf32>
    %add3A_35 = arith.addf %add3A_29, %sqrt3A_34 : vector<128x128xf32>
    %log3A = math.log %add3A_35 : vector<128x128xf32>
    %get3A_36 = arith.constant 0 : index
    %get3A_37 = arith.constant 0 : index
    %get3A_38 = memref.load %arg0[%get3A_36, %get3A_37] : memref<1x1xf32, #tpu.memory_space<smem>>
    %get3A_39 = arith.constant 0 : index
    %get3A_40 = arith.constant 0 : index
    %get3A_41 = memref.load %arg1[%get3A_39, %get3A_40] : memref<1x1xf32, #tpu.memory_space<smem>>
    %sub3A_42 = vector.broadcast %get3A_38 : f32 to vector<128x128xf32>
    %sub3A_43 = arith.subf %log3A, %sub3A_42 : vector<128x128xf32>
    %div3A_44 = vector.broadcast %get3A_41 : f32 to vector<128x128xf32>
    %div3A_45 = arith.divf %sub3A_43, %div3A_44 : vector<128x128xf32>
    %exp3A = math.exp %div3A_45 : vector<128x128xf32>
    %add3A_46 = arith.constant 1.000000e+00 : f32
    %add3A_47 = vector.broadcast %add3A_46 : f32 to vector<128x128xf32>
    %add3A_48 = arith.addf %exp3A, %add3A_47 : vector<128x128xf32>
    %div3A_49 = arith.constant 1.000000e+00 : f32
    %div3A_50 = vector.broadcast %div3A_49 : f32 to vector<128x128xf32>
    %div3A_51 = arith.divf %div3A_50, %add3A_48 : vector<128x128xf32>
    %swap3A = arith.constant 0 : index
    %swap3A_52 = arith.constant 0 : index
    %swap3A_53 = vector.load %arg5[%swap3A, %swap3A_52] : memref<128x128xf32, #tpu.memory_space<vmem>>, vector<128x128xf32>
    tpu.vector_store %arg5[%swap3A, %swap3A_52], %div3A_51 {strides = array<i32>} : memref<128x128xf32, #tpu.memory_space<vmem>>, vector<128x128xf32>,
    return
  }
}

</mosaic_0001>

<sc_bundles>
// kernel: kernel.4.cloned.1.call-start
scs
__scs_entry_jumppad:
0x0: {  	(pc) =	sbr.rel $0x88, $3  }
0x1: {  	(tag) =	ssettag $0x0;
	lr =	simm.s32 $0x1  }
0x2: {  	[smem:$0x3F9C] =	sst lr;
	_ =	strace $0xD0000000  }
0x3: {  	_ = 	snop  }
0x4: {  	_ = 	snop  }
0x5: {  	_ = 	snop  }
0x6: {  	_ = 	snop  }
0x7: {  	_ = 	snop  }
__scs_overlays_trampoline_lowered:
0x8: {  	[smem:$0x3FAB] =	sst s0  }
0x9: {  	[smem:$0x3FAC] =	sst s1  }
0xa: {  	[smem:$0x3FAD] =	sst s2  }
0xb: {  	[smem:$0x3FAE] =	sst s3  }
0xc: {  	[smem:$0x3FAF] =	sst s4  }
0xd: {  	[smem:$0x3FB0] =	sst s5  }
0xe: {  	[smem:$0x3FB1] =	sst s6  }
0xf: {  	[smem:$0x3FB2] =	sst s7  }
0x10: {  	[smem:$0x3FB3] =	sst s8  }
0x11: {  	[smem:$0x3FB4] =	sst s9;
	s0 =	simm.s32 @!p0 $0x0  }
0x12: {  	s1 =	sld [smem:$0x3F9A];
	s0 =	simm.s32 @p0 $0x1  }
0x13: {  	[smem:$0x3FB5] =	sst s0;
	s0 =	simm.s32 @!p1 $0x0  }
0x14: {  	s2 =	sld [smem:$0x3F99];
	s0 =	simm.s32 @p1 $0x1  }
0x15: {  	[smem:$0x3FB6] =	sst s0;
	s0 =	simm.s32 @!p2 $0x0  }
0x16: {  	s3 =	sld [smem:$0x3FDB];
	s0 =	simm.s32 @p2 $0x1  }
0x17: {  	s4 =	simm.s32 $0x1BF5;
	[smem:$0x3FB8] =	sst s0  }
0x18: {  	s0 =	sld [smem:$0x3F9B];
	_ =	swait.ge [sflag:s4], $0x0  }
0x19: {  	s7 =	sld [smem:$0x3F9C]  }
0x1a: {  	s8 =	sadd.s32 $0xFFFFE003, lr  }
0x1b: {  	s9 =	sadd.s32 $0xFFFFFEF7, lr;
	s5 =	simm.s32 $0xFFFFFFFF;
	p2 =	slt.u32 s8, $0xFFFFF086  }
0x1c: {  	p1 =	slt.u32 s9, $0xF7A;
	s5 =	simm.s32 @!p2 $0x0  }
0x1d: {  	s5 =	simm.s32 @p1 $0x1;
	p0 =	seq.s32 s7, s2  }
0x1e: {  	s7 =	smul.u32 @!p0 $0xF7A, s2;
	p2 =	seq.s32 @!p0 s5, $0x0  }
0x1f: {  	s9 =	smul.u32 $0xF7A, s1;
	s8 =	simm.s32 @!p0 $0x1BF5;
	p2 =	por !p2, p0  }
0x20: {  	[sflag:s8] =	ssyncset.s32 @!p0 $0xFFFFF086;
	s6 =	sadd.s32 @!p0 s3, s7;
	s7 =	simm.s32 @!p0 $0x108  }
0x21: {  	s3 =	sadd.s32 s3, s9;
	s6 =	sadd.s32 @!p0 $0x88, s6;
	s7 =	simm.s32 @p2 $0x1082  }
0x22: {  	[simem:s7], [sflag:s8] =	dma.local @!p0 [hbm:s6], $0xF7A  }
0x23: {  	s9 =	sor.u32 $0xD0000000, s2;
	s6 =	simm.s32 $0x108;
	_ =	swait.ge @!p0 [sflag:s8], $0x0  }
0x24: {  	s3 =	sadd.s32 $0x88, s3;
	s6 =	simm.s32 @!p1 $0x1082;
	[sflag:s4] =	ssyncset.s32 $0xFFFFF086  }
0x25: {  	[simem:s6], [sflag:s4] =	dma.local [hbm:s3], $0xF7A  }
0x26: {  	[smem:$0x3F9C] =	sst s1;
	(tag) =	ssettag s2;
	_ =	strace s9  }
0x27: {  	s1 =	sld [smem:$0x3FAC]  }
0x28: {  	s2 =	sld [smem:$0x3FAD]  }
0x29: {  	s4 =	sld [smem:$0x3FAF]  }
0x2a: {  	p0 =	seq.s32 s5, $0x0;
	s5 =	sld [smem:$0x3FB0]  }
0x2b: {  	s6 =	sld [smem:$0x3FB1]  }
0x2c: {  	s7 =	sld [smem:$0x3FB2]  }
0x2d: {  	s3 =	simm.s32 $0x108;
	s8 =	sld [smem:$0x3FB3]  }
0x2e: {  	s3 =	simm.s32 @!p0 $0x1082;
	s9 =	sld [smem:$0x3FB4]  }
0x2f: {  	lr =	sadd.s32 s0, s3;
	s0 =	sld [smem:$0x3FAB]  }
0x30: {  	s3 =	sld [smem:$0x3FAE]  }
0x31: {  	[smem:$0x3FB7] =	sst s10  }
0x32: {  	s10 =	sld [smem:$0x3FB5];
	_ =	sdelay $0x3  }
0x33: {  	p0 =	seq.s32 s10, $0x1;
	s10 =	sld [smem:$0x3FB7];
	_ =	sdelay $0x3  }
0x34: {  	[smem:$0x3FB7] =	sst s10  }
0x35: {  	s10 =	sld [smem:$0x3FB6];
	_ =	sdelay $0x3  }
0x36: {  	p1 =	seq.s32 s10, $0x1;
	s10 =	sld [smem:$0x3FB7];
	_ =	sdelay $0x3  }
0x37: {  	[smem:$0x3FB7] =	sst s10  }
0x38: {  	s10 =	sld [smem:$0x3FB8]  }
0x39: {  	_ = 	snop;
	(pc) =	sbr.ind lr, $3  }
0x3a: {  	_ = 	snop  }
0x3b: {  	_ = 	snop  }
0x3c: {  	p2 =	seq.s32 s10, $0x1;
	s10 =	sld [smem:$0x3FB7]  }
0x3d: {  	_ =	shalt  }
0x3e: {  	_ =	shalt  }
0x3f: {  	_ =	shalt  }
0x40: {  	_ =	shalt  }
0x41: {  	_ =	shalt  }
0x42: {  	_ =	shalt  }
0x43: {  	_ =	shalt  }
0x44: {  	_ =	shalt  }
0x45: {  	_ =	shalt  }
0x46: {  	_ =	shalt  }
0x47: {  	_ =	shalt  }
0x48: {  	_ =	shalt  }
0x49: {  	_ =	shalt  }
0x4a: {  	_ =	shalt  }
0x4b: {  	_ =	shalt  }
0x4c: {  	_ =	shalt  }
0x4d: {  	_ =	shalt  }
0x4e: {  	_ =	shalt  }
0x4f: {  	_ =	shalt  }
0x50: {  	_ =	shalt  }
0x51: {  	_ =	shalt  }
0x52: {  	_ =	shalt  }
0x53: {  	_ =	shalt  }
0x54: {  	_ =	shalt  }
0x55: {  	_ =	shalt  }
0x56: {  	_ =	shalt  }
0x57: {  	_ =	shalt  }
0x58: {  	_ =	shalt  }
0x59: {  	_ =	shalt  }
0x5a: {  	_ =	shalt  }
0x5b: {  	_ =	shalt  }
0x5c: {  	_ =	shalt  }
0x5d: {  	_ =	shalt  }
0x5e: {  	_ =	shalt  }
0x5f: {  	_ =	shalt  }
0x60: {  	_ =	shalt  }
0x61: {  	_ =	shalt  }
0x62: {  	_ =	shalt  }
0x63: {  	_ =	shalt  }
0x64: {  	_ =	shalt  }
0x65: {  	_ =	shalt  }
0x66: {  	_ =	shalt  }
0x67: {  	_ =	shalt  }
0x68: {  	_ =	shalt  }
0x69: {  	_ =	shalt  }
0x6a: {  	_ =	shalt  }
0x6b: {  	_ =	shalt  }
0x6c: {  	_ =	shalt  }
0x6d: {  	_ =	shalt  }
0x6e: {  	_ =	shalt  }
0x6f: {  	_ =	shalt  }
0x70: {  	_ =	shalt  }
0x71: {  	_ =	shalt  }
0x72: {  	_ =	shalt  }
0x73: {  	_ =	shalt  }
0x74: {  	_ =	shalt  }
0x75: {  	_ =	shalt  }
0x76: {  	_ =	shalt  }
0x77: {  	_ =	shalt  }
0x78: {  	_ =	shalt  }
0x79: {  	_ =	shalt  }
0x7a: {  	_ =	shalt  }
0x7b: {  	_ =	shalt  }
0x7c: {  	_ =	shalt  }
0x7d: {  	_ =	shalt  }
0x7e: {  	_ =	shalt  }
0x7f: {  	_ =	shalt  }
0x80: {  	_ =	shalt  }
0x81: {  	_ =	shalt  }
0x82: {  	_ =	shalt  }
0x83: {  	_ =	shalt  }
0x84: {  	_ =	shalt  }
0x85: {  	_ =	shalt  }
0x86: {  	_ =	shalt  }
0x87: {  	_ =	shalt  }
.Lfunc_end0:
.L_simem_size_0:
called_computation_lowered:
.L_overlay_start_0:
0x88: {  	s2 =	sld [smem:$0x3FD9]  }
0x89: {  	s3 =	sld [smem:$0x3FFE];
	_ =	sdelay $0x1  }
0x8a: {  	s1 =	srdreg.scid  }
0x8b: {  	s0 =	sand.u32 $0x1, s1  }
0x8c: {  	s17 =	sshll.u32 s0, $0xA;
	s2 =	sadd.s32 s3, s2  }
0x8d: {  	s2 =	sadd.s32 s2, s17  }
0x8e: {  	[smem:$0x3FC3] =	sst s2  }
0x8f: {  	_ = 	snop  }
0x90: {  	s2 =	sld [smem:$0x3FC9]  }
0x91: {  	s18 =	sld [smem:$0x3FC8]  }
0x92: {  	s4 =	sld [smem:$0x3FD0];
	(tm) =	ssettm $0x1  }
0x93: {  	s5 =	sld [smem:$0x3FFB];
	_ =	sdelay $0x3  }
0x94: {  	_ =	strace s5  }
0x95: {  	s5 =	sld [smem:$0x3FFC];
	_ =	sdelay $0x3  }
0x96: {  	_ =	strace s5  }
0x97: {  	s5 =	sld [smem:$0x3FFD];
	_ =	sdelay $0x3  }
0x98: {  	_ =	strace s5  }
0x99: {  	_ =	strace $0x8FFFFFFF  }
0x9a: {  	s19 =	sld [smem:$0x3FDB];
	_ =	sdelay $0x1  }
0x9b: {  	s6 =	simm.s32 $_scs_section_size  }
0x9c: {  	s7 =	simm.s32 $_size__tile_overlayer_lowered;
	s8 =	simm.s32 $_tile_overlayer_lowered  }
0x9d: {  	s22 =	simm.s32 $0x1BFF;
	s21 =	sshll.u32 s8, $0x1;
	s5 =	sadd.s32 s6, s19  }
0x9e: {  	s9 =	simm.s32 $0x0;
	s20 =	sshll.u32 s7, $0x1;
	s7 =	sadd.s32 s21, s5  }
0x9f: {  	[timem:s9], [sflag:s22] =	dma.local [hbm:s7], s20  }
0xa0: {  	_ =	swait.ge [sflag:s22], s20  }
0xa1: {  	s6 =	ssub.s32 $0x0, s20;
	[sflag:s22] =	ssyncset.done $0x0  }
0xa2: {  	[sflag:s22] =	ssyncadd.s32 s6;
	_ =	sdelay $0x1  }
0xa3: {  	s23 =	simm.s32 $0x1B8B  }
0xa4: {  	_ =	swait.ge [sflag:s23], $0x1  }
0xa5: {  	[sflag:s23] =	ssyncset.done $0x0  }
0xa6: {  	s25 =	simm.s32 $0x1B8E;
	s24 =	sld [smem:$0x3FFE];
	[sflag:s23] =	ssyncadd.s32 $0xFFFFFFFF  }
0xa7: {  	s26 =	simm.s32 $execute0_lowered;
	[smem:$0x3FD2] =	sst s25  }
0xa8: {  	s7 =	sshll.u32 s26, $0x1;
	_ =	strace $0x80000046;
	[dreg:$0x1] =	wrdreg $0xFFFFFFFF  }
0xa9: {  	s28 =	simm.s32 $_size_execute0_lowered;
	s5 =	sadd.s32 s5, s7;
	[dreg:$0x0] =	wrdreg $0x0  }
0xaa: {  	s7 =	sshll.u32 s28, $0x1;
	[dreg:$0x2] =	wrdreg s5  }
0xab: {  	[dreg:$0x3] =	wrdreg s7  }
0xac: {  	[dreg:$0x4] =	wrdreg $0xC0  }
0xad: {  	_ =	task [dreg:s9], $0x5FFFF  }
0xae: {  	[dreg:$0x1] =	wrdreg $0xFFFFFFFF  }
0xaf: {  	[dreg:$0x0] =	wrdreg $0x60  }
0xb0: {  	[dreg:$0x2] =	wrdreg s2  }
0xb1: {  	[dreg:$0x3] =	wrdreg s18  }
0xb2: {  	[dreg:$0x4] =	wrdreg s24  }
0xb3: {  	[dreg:$0x5] =	wrdreg s4  }
0xb4: {  	[dreg:$0x6] =	wrdreg $0x9  }
0xb5: {  	_ =	task.clear_ibuf [dreg:s9], $0x7FFFF;
	_ =	strace $0x90000046  }
0xb6: {  	s29 =	simm.s32 $0x9;
	_ =	strace $0x80000048  }
0xb7: {  	_ =	swait.ge [sflag:s29], $0x1  }
0xb8: {  	[sflag:s29] =	ssyncadd.s32 $0xFFFFFFFF  }
0xb9: {  	_ =	strace $0x90000048  }
0xba: {  	_ =	sfence  }
0xbb: {  	s30 =	sld [smem:$0x0];
	_ =	sdelay $0x2  }
0xbc: {  	s31 =	sshll.u32 s1, $0xD;
	s1 =	sshrl.u32 s1, $0x2  }
0xbd: {  	s3 =	sand.u32 $0x4000, s31;
	s1 =	sadd.s32 s1, s30  }
0xbe: {  	s0 =	sor.u32 s3, s0;
	s1 =	sshll.u32 s1, $0x11  }
0xbf: {  	s0 =	sor.u32 s1, s0  }
0xc0: {  	s0 =	sadd.s32 $0x8F2B, s0  }
0xc1: {  	[sflag:s0] =	ssyncadd.remote.s32 $0x1  }
0xc2: {  	_ =	sfence.sel $0xFFFF  }
0xc3: {  	[dreg:$0x0] =	wrdreg $0xFFFFFFFF;
	(pc) =	sbr.abs _section_cstart, $3  }
0xc4: {  	[dreg:$0x1] =	wrdreg $0xFFFFFFFF  }
0xc5: {  	_ =	task.clear_ibuf [dreg:s9], $0x2FFFF;
	_ =	strace $0x9FFFFFFF  }
0xc6: {  	(tm) =	ssettm $0x7FFFFFFF  }
0xc7: {  	_ =	shalt  }
tec
execute0_lowered:
.L_overlay_start_1:
0x0: {  	(tag) =	ssettag $0x1  }
0x1: {  	s4 =	rddreg [dreg:$0x0]  }
0x2: {  	s5 =	rddreg [dreg:$0x1]  }
0x3: {  	s6 =	rddreg [dreg:$0x2]  }
0x4: {  	s7 =	rddreg [dreg:$0x3]  }
0x5: {  	s0 =	rddreg [dreg:$0x4];
	s3 =	srdreg.scid  }
0x6: {  	s2 =	simm.s32 $0x0;
	s1 =	stileid.u32;
	s11 =	simm.s32 $0x200  }
0x7: {  	s12 =	simm.s32 $0x1;
	s13 =	simm.s32 $0x2200;
	s14 =	simm.s32 $0x4200  }
0x8: {  	s15 =	simm.s32 $0x4400;
	s16 =	simm.s32 $0x4600;
	s17 =	simm.s32 $0x0  }
0x9: {  	s3 =	sand.u32 $0x1, s3;
	[smem:$0x7FF] =	sst s2;
	s8 =	sshll.u32 s1, $0x7  }
0xa: {  	s9 =	sshll.u32 s3, $0x6;
	_ =	strace $0x80000047;
	s30 =	ssub.s32 $0x2, s3  }
0xb: {  	s3 =	sadd.s32 $0xF43200, s6;
	s8 =	sor.u32 s9, s8;
	s31 =	sshrl.u32 s30, $0x1  }
0xc: {  	s10 =	sadd.s32 s8, s6;
	s9 =	ssub.s32 s30, s31;
	s4 =	sadd.s32 s4, s8  }
0xd: {  	v0 =	vlaneseq.u32;
	s5 =	sadd.s32 s5, s8;
	s6 =	sadd.s32 s7, s8;
	s7 =	sadd.s32 $0xE00, s10  }
0xe: {  	v0 =	vmul.u32 $0x10, v0;
	s8 =	sadd.s32 $0x1600, s10;
	s9 =	smax.u32 s9, $0x1;
	s10 =	simm.s32 $0x2  }
.LBB2_1:
0xf: {  	[tilespmem:s2], [sflag:$0x2] =	stream.linear.gather [hbm4b:s4+s2], $0x200, $0x38;
	[tilespmem:$0x4800] =	vst v63  }
0x10: {  	_ =	swait.ge [sflag:s10], $0x200  }
0x11: {  	[sflag:s10] =	ssyncset.done $0x0  }
0x12: {  	[sflag:s10] =	ssyncadd.s32 $0xFFFFFE00  }
0x13: {  	[tilespmem:s11], [sflag:$0x1] =	stream.indirect.gather [hbm4b:s3+s11], $0x10, s2, s11, $0xb8;
	[tilespmem:$0x4800] =	vst v63  }
0x14: {  	_ =	swait.ge [sflag:s12], $0x2000  }
0x15: {  	[sflag:s12] =	ssyncset.done $0x0  }
0x16: {  	[sflag:s12] =	ssyncadd.s32 $0xFFFFE000  }
0x17: {  	v1 =	vmov s2;
	[tilespmem:s2], [sflag:$0x2] =	stream.linear.gather [hbm4b:s5+s2], $0x200, $0x38;
	[tilespmem:$0x4800] =	vst v63  }
0x18: {  	v1 =	vshll.u32 v1, $0x4;
	_ =	swait.ge [sflag:s10], $0x200  }
0x19: {  	v5 =	vor.u32 v0, v1;
	[sflag:s10] =	ssyncset.done $0x0  }
0x1a: {  	v12 =	vor.u32 $0x4, v5;
	[sflag:s10] =	ssyncadd.s32 $0xFFFFFE00  }
0x1b: {  	[tilespmem:s13], [sflag:$0x1] =	stream.indirect.gather [hbm4b:s3+s11], $0x10, s2, s11, $0xb8;
	[tilespmem:$0x4800] =	vst v63  }
0x1c: {  	v11 =	vor.u32 $0x1, v5;
	_ =	swait.ge [sflag:s12], $0x2000  }
0x1d: {  	s21 =	simm.s32 $0x10;
	s22 =	simm.s32 $0x4200;
	v8 =	vor.u32 $0x2, v5;
	v10 =	vor.u32 $0x5, v5;
	v4 =	vor.u32 $0x7, v5;
	[sflag:s12] =	ssyncset.done $0x0  }
0x1e: {  	s23 =	simm.s32 $0x4400;
	s24 =	simm.s32 $0x4600;
	v6 =	vor.u32 $0x8, v5;
	v2 =	vor.u32 $0xA, v5;
	v3 =	vor.u32 $0xB, v5;
	[sflag:s12] =	ssyncadd.s32 $0xFFFFE000  }
0x1f: {  	s20 =	simm.s32 $0x4200;
	s18 =	simm.s32 $0x4400;
	s19 =	simm.s32 $0x4600;
	v1 =	vor.u32 $0xE, v5;
	v9 =	vor.u32 $0x3, v5;
	v7 =	vor.u32 $0x6, v5;
	v17 =	vld.idx.msk [tilespmem:v12+s11+$0x0], $0xffff  }
.LBB2_2:
0x20: {  	v18 =	vld.idx.msk [tilespmem:v12+s13+$0x0], $0xffff;
	s22 =	sadd.s32 $0x10, s22;
	s23 =	sadd.s32 $0x10, s23;
	s24 =	sadd.s32 $0x10, s24  }
0x21: {  	p0 =	sne.s32 s21, $0x1F0;
	s25 =	smov.u32 s21;
	s21 =	sadd.s32 $0x10, s21;
	v19 =	vld.idx.msk [tilespmem:v11+s13+$0x0], $0xffff  }
0x22: {  	v20 =	vld.idx.msk [tilespmem:v5+s13+$0x0], $0xffff  }
0x23: {  	v12 =	vmov s25;
	v21 =	vld.idx.msk [tilespmem:v11+s11+$0x0], $0xffff  }
0x24: {  	v15 =	vor.u32 $0xD, v5;
	v13 =	vor.u32 $0xF, v5;
	v11 =	vshll.u32 v12, $0x4;
	v22 =	vld.idx.msk [tilespmem:v8+s13+$0x0], $0xffff  }
0x25: {  	v24 =	vor.u32 $0x9, v5;
	v25 =	vor.u32 $0xC, v5;
	v23 =	vld.idx.msk [tilespmem:v5+s11+$0x0], $0xffff;
	v5 =	vor.u32 v0, v11  }
0x26: {  	v27 =	vmul.f32 v18, v18;
	v11 =	vor.u32 $0x1, v5;
	v26 =	vld.idx.msk [tilespmem:v8+s11+$0x0], $0xffff;
	v8 =	vor.u32 $0x2, v5  }
0x27: {  	v12 =	vor.u32 $0x4, v5;
	v28 =	vor.u32 $0x5, v5;
	v29 =	vmul.f32 v19, v19  }
0x28: {  	v30 =	vor.u32 $0x7, v5;
	v31 =	vor.u32 $0x8, v5;
	v32 =	vmul.f32 v20, v20;
	v33 =	vld.idx.msk [tilespmem:v9+s13+$0x0], $0xffff  }
0x29: {  	v34 =	vor.u32 $0xA, v5;
	v16 =	vor.u32 $0xB, v5;
	v35 =	vmul.f32 v21, v21;
	v36 =	vld.idx.msk [tilespmem:v9+s11+$0x0], $0xffff  }
0x2a: {  	v18 =	vsub.f32 v17, v18;
	v14 =	vor.u32 $0xE, v5;
	v37 =	vmul.f32 v22, v22  }
0x2b: {  	v17 =	vmul.f32 v17, v17;
	v9 =	vor.u32 $0x3, v5;
	v38 =	vmul.f32 v23, v23  }
0x2c: {  	v18 =	vmul.f32 v18, v18;
	v29 =	vadd.f32 v29, v32;
	v22 =	vsub.f32 v26, v22;
	v32 =	vld.idx.msk [tilespmem:v10+s13+$0x0], $0xffff  }
0x2d: {  	v20 =	vsub.f32 v23, v20;
	v26 =	vmul.f32 v26, v26;
	v23 =	vadd.f32 v35, v38;
	v35 =	vld.idx.msk [tilespmem:v10+s11+$0x0], $0xffff  }
0x2e: {  	v10 =	vsub.f32 v21, v19;
	v19 =	vadd.f32 v37, v29;
	v21 =	vmul.f32 v33, v33;
	v29 =	vld.idx.msk [tilespmem:v7+s13+$0x0], $0xffff  }
0x2f: {  	v23 =	vadd.f32 v26, v23;
	v26 =	vmul.f32 v36, v36;
	v33 =	vsub.f32 v36, v33;
	v36 =	vld.idx.msk [tilespmem:v7+s11+$0x0], $0xffff  }
0x30: {  	v7 =	vmul.f32 v20, v20;
	v37 =	vmul.f32 v10, v10;
	v19 =	vadd.f32 v21, v19;
	v20 =	vld.idx.msk [tilespmem:v4+s13+$0x0], $0xffff  }
0x31: {  	v21 =	vmul.f32 v22, v22;
	v22 =	vadd.f32 v26, v23;
	v23 =	vmul.f32 v33, v33;
	v26 =	vld.idx.msk [tilespmem:v4+s11+$0x0], $0xffff  }
0x32: {  	v37 =	vadd.f32 v37, v7;
	v19 =	vadd.f32 v27, v19;
	v27 =	vmul.f32 v32, v32;
	v33 =	vld.idx.msk [tilespmem:v6+s13+$0x0], $0xffff  }
0x33: {  	v7 =	vor.u32 $0x6, v5;
	v10 =	vmovc v28;
	v17 =	vadd.f32 v17, v22;
	v22 =	vsub.f32 v35, v32;
	v6 =	vld.idx.msk [tilespmem:v6+s11+$0x0], $0xffff  }
0x34: {  	v4 =	vmovc v30;
	v28 =	vmul.f32 v35, v35;
	v21 =	vadd.f32 v21, v37;
	v19 =	vadd.f32 v27, v19  }
0x35: {  	v30 =	vmul.f32 v29, v29;
	v27 =	vmul.f32 v36, v36;
	v29 =	vsub.f32 v36, v29;
	v32 =	vld.idx.msk [tilespmem:v24+s13+$0x0], $0xffff  }
0x36: {  	v17 =	vadd.f32 v28, v17;
	v21 =	vadd.f32 v23, v21;
	v23 =	vmul.f32 v20, v20;
	v28 =	vld.idx.msk [tilespmem:v2+s13+$0x0], $0xffff  }
0x37: {  	v19 =	vadd.f32 v30, v19;
	v30 =	vmul.f32 v26, v26;
	v20 =	vsub.f32 v26, v20;
	v24 =	vld.idx.msk [tilespmem:v24+s11+$0x0], $0xffff  }
0x38: {  	v17 =	vadd.f32 v27, v17;
	v18 =	vadd.f32 v18, v21;
	v21 =	vmul.f32 v22, v22;
	v22 =	vld.idx.msk [tilespmem:v3+s13+$0x0], $0xffff  }
0x39: {  	v19 =	vadd.f32 v23, v19;
	v26 =	vmul.f32 v33, v33;
	v23 =	vmul.f32 v6, v6;
	v27 =	vld.idx.msk [tilespmem:v2+s11+$0x0], $0xffff  }
0x3a: {  	v2 =	vadd.f32 v21, v18;
	v18 =	vmul.f32 v29, v29;
	v21 =	vsub.f32 v6, v33;
	v6 =	vmovc v31  }
0x3b: {  	v17 =	vadd.f32 v30, v17;
	v19 =	vadd.f32 v26, v19;
	v26 =	vmul.f32 v32, v32;
	v3 =	vld.idx.msk [tilespmem:v3+s11+$0x0], $0xffff  }
0x3c: {  	v30 =	vadd.f32 v18, v2;
	v18 =	vmul.f32 v20, v20;
	v20 =	vmul.f32 v28, v28;
	v29 =	vld.idx.msk [tilespmem:v25+s13+$0x0], $0xffff  }
0x3d: {  	v17 =	vadd.f32 v23, v17;
	v23 =	vmul.f32 v24, v24;
	v19 =	vadd.f32 v26, v19;
	v25 =	vld.idx.msk [tilespmem:v25+s11+$0x0], $0xffff  }
0x3e: {  	v21 =	vmul.f32 v21, v21;
	v24 =	vsub.f32 v24, v32;
	v18 =	vadd.f32 v18, v30;
	v2 =	vmovc v34  }
0x3f: {  	v17 =	vadd.f32 v23, v17;
	v23 =	vmul.f32 v27, v27;
	v19 =	vadd.f32 v20, v19;
	v20 =	vld.idx.msk [tilespmem:v15+s13+$0x0], $0xffff  }
0x40: {  	v18 =	vadd.f32 v21, v18;
	v21 =	vmul.f32 v24, v24;
	v24 =	vsub.f32 v27, v28;
	v15 =	vld.idx.msk [tilespmem:v15+s11+$0x0], $0xffff  }
0x41: {  	v17 =	vadd.f32 v23, v17;
	v23 =	vmul.f32 v22, v22;
	v22 =	vsub.f32 v3, v22;
	v26 =	vld.idx.msk [tilespmem:v1+s13+$0x0], $0xffff  }
0x42: {  	v18 =	vadd.f32 v21, v18;
	v21 =	vmul.f32 v24, v24;
	v24 =	vmul.f32 v3, v3;
	v27 =	vld.idx.msk [tilespmem:v1+s11+$0x0], $0xffff  }
0x43: {  	v3 =	vmovc v16;
	v28 =	vadd.f32 v23, v19;
	v19 =	vmul.f32 v25, v25;
	v23 =	vmul.f32 v29, v29  }
0x44: {  	v16 =	vadd.f32 v21, v18;
	v17 =	vadd.f32 v24, v17;
	v18 =	vmul.f32 v22, v22;
	v21 =	vld.idx.msk [tilespmem:v13+s11+$0x0], $0xffff  }
0x45: {  	v22 =	vadd.f32 v23, v28;
	v23 =	vsub.f32 v25, v29;
	v24 =	vmul.f32 v20, v20;
	v13 =	vld.idx.msk [tilespmem:v13+s13+$0x0], $0xffff  }
0x46: {  	v1 =	vmovc v14;
	v16 =	vadd.f32 v18, v16;
	v17 =	vadd.f32 v19, v17;
	v18 =	vmul.f32 v15, v15  }
0x47: {  	v15 =	vsub.f32 v15, v20;
	v14 =	vmul.f32 v23, v23;
	v19 =	vadd.f32 v24, v22  }
0x48: {  	v20 =	vmul.f32 v26, v26;
	v17 =	vadd.f32 v18, v17;
	v18 =	vmul.f32 v27, v27  }
0x49: {  	v15 =	vmul.f32 v15, v15;
	v14 =	vadd.f32 v14, v16;
	v16 =	vsub.f32 v27, v26  }
0x4a: {  	v17 =	vadd.f32 v18, v17;
	v18 =	vadd.f32 v20, v19;
	v19 =	vmul.f32 v21, v21  }
0x4b: {  	v14 =	vadd.f32 v15, v14;
	v15 =	vmul.f32 v16, v16;
	v16 =	vsub.f32 v21, v13  }
0x4c: {  	v13 =	vmul.f32 v13, v13;
	v17 =	vadd.f32 v19, v17  }
0x4d: {  	v14 =	vadd.f32 v15, v14;
	v15 =	vmul.f32 v16, v16  }
.Ltmp0:
0x4e: {  	v13 =	vadd.f32 v13, v18;
	[tilespmem:s20+$0x0] =	vst v17;
	s20 =	smov.u32 s22;
	(pc) =	sbr.rel @p0 .LBB2_2-.Ltmp0, $4  }
0x4f: {  	v14 =	vadd.f32 v15, v14  }
0x50: {  	[tilespmem:s18+$0x0] =	vst v13;
	s18 =	smov.u32 s23  }
0x51: {  	[tilespmem:s19+$0x0] =	vst v14;
	s19 =	smov.u32 s24  }
0x52: {  	v17 =	vld.idx.msk [tilespmem:v12+s11+$0x0], $0xffff  }
0x53: {  	_ =	sdelay $0x3  }
0x54: {  	v12 =	vld.idx.msk [tilespmem:v12+s13+$0x0], $0xffff  }
0x55: {  	v13 =	vld.idx.msk [tilespmem:v11+s13+$0x0], $0xffff  }
0x56: {  	v14 =	vld.idx.msk [tilespmem:v5+s13+$0x0], $0xffff  }
0x57: {  	v46 =	vld.idx.msk [tilespmem:v11+s11+$0x0], $0xffff  }
0x58: {  	v15 =	vld.idx.msk [tilespmem:v8+s13+$0x0], $0xffff  }
0x59: {  	v16 =	vld.idx.msk [tilespmem:v5+s11+$0x0], $0xffff  }
0x5a: {  	v47 =	vld.idx.msk [tilespmem:v8+s11+$0x0], $0xffff  }
0x5b: {  	v22 =	vld.idx.msk [tilespmem:v9+s13+$0x0], $0xffff  }
0x5c: {  	v49 =	vld.idx.msk [tilespmem:v9+s11+$0x0], $0xffff  }
0x5d: {  	v50 =	vld.idx.msk [tilespmem:v10+s13+$0x0], $0xffff  }
0x5e: {  	v18 =	vor.u32 $0xD, v5;
	v53 =	vld.idx.msk [tilespmem:v10+s11+$0x0], $0xffff  }
0x5f: {  	v19 =	vor.u32 $0xF, v5;
	v20 =	vor.u32 $0x9, v5;
	v58 =	vld.idx.msk [tilespmem:v7+s11+$0x0], $0xffff;
	v52 =	vmul.f32 v17, v17  }
0x60: {  	v48 =	vor.u32 $0xC, v5;
	v59 =	vld.idx.msk [tilespmem:v4+s13+$0x0], $0xffff;
	v21 =	vmul.f32 v12, v12;
	v23 =	vmul.f32 v13, v13  }
0x61: {  	v60 =	vld.idx.msk [tilespmem:v4+s11+$0x0], $0xffff;
	v24 =	vmul.f32 v14, v14;
	v25 =	vmul.f32 v46, v46;
	v12 =	vsub.f32 v17, v12  }
0x62: {  	v56 =	vld.idx.msk [tilespmem:v7+s13+$0x0], $0xffff;
	v26 =	vmul.f32 v16, v16;
	v27 =	vmul.f32 v15, v15;
	v15 =	vsub.f32 v47, v15  }
0x63: {  	v62 =	vld.idx.msk [tilespmem:v6+s13+$0x0], $0xffff;
	v14 =	vsub.f32 v16, v14;
	v8 =	vmul.f32 v47, v47;
	v55 =	vmul.f32 v22, v22  }
0x64: {  	v30 =	vld.idx.msk [tilespmem:v2+s13+$0x0], $0xffff;
	v11 =	vsub.f32 v46, v13;
	v57 =	vmul.f32 v49, v49;
	v61 =	vmul.f32 v50, v50  }
0x65: {  	v2 =	vld.idx.msk [tilespmem:v2+s11+$0x0], $0xffff;
	v9 =	vsub.f32 v49, v22;
	v10 =	vmul.f32 v53, v53;
	v7 =	vmul.f32 v58, v58  }
0x66: {  	v63 =	vsub.f32 v53, v50;
	v29 =	vmul.f32 v59, v59;
	v31 =	vmul.f32 v60, v60  }
0x67: {  	v37 =	vld.idx.msk [tilespmem:v3+s13+$0x0], $0xffff;
	v51 =	vadd.f32 v25, v26;
	v14 =	vmul.f32 v14, v14;
	v11 =	vmul.f32 v11, v11  }
0x68: {  	v4 =	vsub.f32 v60, v59;
	v34 =	vmul.f32 v62, v62;
	v23 =	vadd.f32 v23, v24  }
0x69: {  	v3 =	vld.idx.msk [tilespmem:v3+s11+$0x0], $0xffff;
	v15 =	vmul.f32 v15, v15;
	v8 =	vadd.f32 v8, v51;
	v11 =	vadd.f32 v11, v14  }
0x6a: {  	v39 =	vmul.f32 v30, v30;
	v44 =	vmul.f32 v2, v2;
	v54 =	vadd.f32 v27, v23  }
0x6b: {  	v41 =	vld.idx.msk [tilespmem:v48+s13+$0x0], $0xffff;
	v9 =	vmul.f32 v9, v9;
	v8 =	vadd.f32 v57, v8;
	v11 =	vadd.f32 v15, v11  }
0x6c: {  	v5 =	vld.idx.msk [tilespmem:v48+s11+$0x0], $0xffff;
	v2 =	vsub.f32 v2, v30;
	v48 =	vmul.f32 v37, v37;
	v13 =	vadd.f32 v55, v54  }
0x6d: {  	v12 =	vmul.f32 v12, v12;
	v24 =	vld.idx.msk [tilespmem:v6+s11+$0x0], $0xffff;
	v8 =	vadd.f32 v52, v8;
	v9 =	vadd.f32 v9, v11  }
0x6e: {  	v28 =	vld.idx.msk [tilespmem:v20+s13+$0x0], $0xffff;
	v49 =	vmul.f32 v3, v3;
	v27 =	vsub.f32 v58, v56;
	v13 =	vadd.f32 v21, v13  }
0x6f: {  	v20 =	vld.idx.msk [tilespmem:v20+s11+$0x0], $0xffff;
	v32 =	vmul.f32 v63, v63;
	v8 =	vadd.f32 v10, v8;
	v9 =	vadd.f32 v12, v9  }
0x70: {  	v3 =	vsub.f32 v3, v37;
	v26 =	vmul.f32 v56, v56;
	v13 =	vadd.f32 v61, v13  }
0x71: {  	v35 =	vmul.f32 v27, v27;
	v7 =	vadd.f32 v7, v8;
	v9 =	vadd.f32 v32, v9  }
0x72: {  	v45 =	vld.idx.msk [tilespmem:v18+s13+$0x0], $0xffff;
	v4 =	vmul.f32 v4, v4;
	v36 =	vsub.f32 v24, v62;
	v13 =	vadd.f32 v26, v13  }
0x73: {  	v47 =	vld.idx.msk [tilespmem:v18+s11+$0x0], $0xffff;
	v6 =	vmul.f32 v24, v24;
	v7 =	vadd.f32 v31, v7;
	v9 =	vadd.f32 v35, v9  }
0x74: {  	v40 =	vmul.f32 v20, v20;
	v43 =	vsub.f32 v20, v28;
	v33 =	vadd.f32 v29, v13  }
0x75: {  	v42 =	vmul.f32 v36, v36;
	v6 =	vadd.f32 v6, v7;
	v4 =	vadd.f32 v4, v9  }
0x76: {  	v50 =	vld.idx.msk [tilespmem:v1+s11+$0x0], $0xffff;
	v2 =	vmul.f32 v2, v2;
	v38 =	vmul.f32 v28, v28;
	v8 =	vadd.f32 v34, v33  }
0x77: {  	v1 =	vld.idx.msk [tilespmem:v1+s13+$0x0], $0xffff;
	v46 =	vmul.f32 v43, v43;
	v6 =	vadd.f32 v40, v6;
	v4 =	vadd.f32 v42, v4  }
0x78: {  	v3 =	vmul.f32 v3, v3;
	v58 =	vsub.f32 v47, v45;
	v8 =	vadd.f32 v38, v8  }
0x79: {  	v51 =	vmul.f32 v41, v41;
	v6 =	vadd.f32 v44, v6;
	v4 =	vadd.f32 v46, v4  }
0x7a: {  	v56 =	vld.idx.msk [tilespmem:v19+s13+$0x0], $0xffff;
	v52 =	vmul.f32 v5, v5;
	v5 =	vsub.f32 v5, v41;
	v8 =	vadd.f32 v39, v8  }
0x7b: {  	v59 =	vmul.f32 v50, v50;
	v54 =	vld.idx.msk [tilespmem:v19+s11+$0x0], $0xffff;
	v2 =	vadd.f32 v2, v4;
	v53 =	vadd.f32 v49, v6  }
0x7c: {  	v60 =	vsub.f32 v50, v1;
	v57 =	vmul.f32 v47, v47;
	v7 =	vadd.f32 v48, v8  }
0x7d: {  	v4 =	vadd.f32 v52, v53;
	v2 =	vadd.f32 v3, v2;
	v3 =	vmul.f32 v5, v5  }
0x7e: {  	v1 =	vmul.f32 v1, v1;
	v55 =	vmul.f32 v45, v45;
	v7 =	vadd.f32 v51, v7  }
0x7f: {  	v4 =	vadd.f32 v57, v4;
	v2 =	vadd.f32 v3, v2;
	v3 =	vmul.f32 v58, v58  }
0x80: {  	v61 =	vmul.f32 v54, v54;
	v62 =	vsub.f32 v54, v56;
	v7 =	vadd.f32 v55, v7  }
0x81: {  	v4 =	vadd.f32 v59, v4;
	v2 =	vadd.f32 v3, v2;
	v3 =	vmul.f32 v60, v60  }
0x82: {  	v63 =	vmul.f32 v56, v56;
	v1 =	vadd.f32 v1, v7  }
0x83: {  	v4 =	vadd.f32 v61, v4;
	v2 =	vadd.f32 v3, v2;
	v3 =	vmul.f32 v62, v62  }
0x84: {  	v1 =	vadd.f32 v63, v1  }
0x85: {  	[tilespmem:s20+$0x0] =	vst v4;
	v2 =	vadd.f32 v3, v2  }
0x86: {  	[tilespmem:s18+$0x0] =	vst v1  }
0x87: {  	[tilespmem:s19+$0x0] =	vst v2  }
0x88: {  	[hbm4b:s6+s2] =	stream.linear.scatter [tilespmem:s14], [sflag:$0x2], $0x200, $0x38;
	[tilespmem:$0x4800] =	vst v63  }
0x89: {  	_ =	swait.ge [sflag:s10], $0x200  }
0x8a: {  	[sflag:s10] =	ssyncset.done $0x0  }
0x8b: {  	[sflag:s10] =	ssyncadd.s32 $0xFFFFFE00  }
0x8c: {  	[hbm4b:s7+s2] =	stream.linear.scatter [tilespmem:s15], [sflag:$0x2], $0x200, $0x38;
	[tilespmem:$0x4800] =	vst v63  }
0x8d: {  	s17 =	sadd.s32 $0x1, s17;
	_ =	swait.ge [sflag:s10], $0x200  }
0x8e: {  	p0 =	sne.s32 s17, s9;
	[sflag:s10] =	ssyncset.done $0x0  }
.Ltmp1:
0x8f: {  	[sflag:s10] =	ssyncadd.s32 $0xFFFFFE00;
	(pc) =	sbr.rel @p0 .LBB2_1-.Ltmp1, $4  }
0x90: {  	[hbm4b:s8+s2] =	stream.linear.scatter [tilespmem:s16], [sflag:$0x2], $0x200, $0x38;
	[tilespmem:$0x4800] =	vst v63  }
0x91: {  	_ =	swait.ge [sflag:s10], $0x200  }
0x92: {  	[sflag:s10] =	ssyncset.done $0x0  }
0x93: {  	[sflag:s10] =	ssyncadd.s32 $0xFFFFFE00  }
0x94: {  	_ =	sfence.sel $0x180000  }
0x95: {  	[bflag:$0x0] =	sbarrier.arrive $0xFFFF  }
0x96: {  	p0 =	sne.s32 s1, $0x0;
	_ =	strace $0x90000047  }
0x97: {  	s0 =	sadd.s32 @!p0 $0x100000, s0;
	[bflag:$0x2] =	sbarrier.arrive $0xFFFF  }
0x98: {  	[sflag:s0] =	ssyncadd.tile.s32 @!p0 $0x1;
	_ =	shalt  }
.Lfunc_end2:
_tile_overlayer_lowered:
.L_overlay_start_2:
0x99: {  	(tag) =	ssettag $0x2  }
0x9a: {  	s0 =	rddreg [dreg:$0x0];
	s2 =	stileid.u32  }
0x9b: {  	s1 =	rddreg [dreg:$0x1];
	p0 =	sne.s32 s2, $0x0  }
0x9c: {  	s3 =	rddreg [dreg:$0x2];
	[bflag:$0x3] =	sbarrier.arrive $0xFFFF;
	s2 =	simm.s32 @!p0 $0x1C02  }
0x9d: {  	[timem:s3], [sflag:s2] =	dma.local @!p0 [hbm:s0], s1  }
0x9e: {  	s0 =	simm.s32 @!p0 $0x2  }
0x9f: {  	_ =	swait.ge @!p0 [sflag:s0], s1  }
0xa0: {  	s1 =	ssub.s32 @!p0 $0x0, s1;
	[sflag:s0] =	ssyncset.done @!p0 $0x0  }
0xa1: {  	[sflag:s0] =	ssyncadd.s32 @!p0 s1  }
0xa2: {  	[bflag:$0x3] =	sbarrier.arrive $0xFFFF  }
0xa3: {  	_ =	shalt  }

</sc_bundles>
